<compile_context>
chip_gen: v7x
topology: tpu7x:2x2x1
jax: 0.10.2.dev20260603
libtpu: 0.0.44.dev20260713+nightly
codegen_flags: <defaults>
</compile_context>

<pallas_src>
import functools

import jax
import jax.numpy as jnp
from jax import lax
from jax.experimental import pallas as pl
from jax.experimental.pallas import tpu as pltpu
from jax.experimental.pallas import tpu_sc as plsc

def _make_sc_gather(V, D, B):
    info = plsc.get_sparse_core_info()
    _NC = 1
    _NS = info.num_subcores
    _NW = _NC * _NS
    b_per_w = B // _NW
    mesh = plsc.VectorSubcoreMesh(
        core_axis_name="c", subcore_axis_name="s", num_cores=_NC, num_subcores=_NS)

    half = b_per_w // 2

    @functools.partial(
        pl.kernel,
        mesh=mesh,
        out_type=jax.ShapeDtypeStruct((B, D), jnp.float32),
        scratch_types=[
            pltpu.VMEM((b_per_w,), jnp.int32),
            pltpu.VMEM((half, D), jnp.float32),
            pltpu.VMEM((half, D), jnp.float32),
            pltpu.SemaphoreType.DMA,
            pltpu.SemaphoreType.DMA,
        ],
    )
    def gather(table_hbm, idx_hbm, out_hbm, idx_v, rows_a, rows_b, sem_a, sem_b):
        wid = lax.axis_index("s") * _NC + lax.axis_index("c")
        base = wid * b_per_w
        pltpu.sync_copy(idx_hbm.at[pl.ds(base, b_per_w)], idx_v)
        ca = pltpu.async_copy(table_hbm.at[idx_v.at[pl.ds(0, half)]], rows_a, sem_a)
        cb = pltpu.async_copy(table_hbm.at[idx_v.at[pl.ds(half, half)]], rows_b, sem_b)
        ca.wait()
        pltpu.sync_copy(rows_a, out_hbm.at[pl.ds(base, half)])
        cb.wait()
        pltpu.sync_copy(rows_b, out_hbm.at[pl.ds(base + half, half)])

    return gather


def _tc_body(gate_ref, sp_ref, gamma_ref, beta_ref, x_ref, o_ref):
    sp = sp_ref[...]
    mean = jnp.mean(sp, axis=-1, keepdims=True)
    cen = sp - mean
    var = jnp.mean(cen * cen, axis=-1, keepdims=True)
    norm = cen * lax.rsqrt(var + 1e-5)
    norm = norm * gamma_ref[...] + beta_ref[...]
    g = jax.nn.sigmoid(gate_ref[0])
    o_ref[...] = x_ref[...] + g * norm[:, None, :]


def _tc_fused(x, sp_emb, gamma, beta, gate):
    B, L, D = x.shape
    BB = 128
    grid = (B // BB,)
    return pl.pallas_call(
        _tc_body,
        grid=grid,
        in_specs=[
            pl.BlockSpec(memory_space=pltpu.SMEM),
            pl.BlockSpec((BB, D), lambda i: (i, 0)),
            pl.BlockSpec((1, D), lambda i: (0, 0)),
            pl.BlockSpec((1, D), lambda i: (0, 0)),
            pl.BlockSpec((BB, L, D), lambda i: (i, 0, 0)),
        ],
        out_specs=pl.BlockSpec((BB, L, D), lambda i: (i, 0, 0)),
        out_shape=jax.ShapeDtypeStruct((B, L, D), x.dtype),
        compiler_params=pltpu.CompilerParams(
            vmem_limit_bytes=128 * 1024 * 1024,
        ),
    )(gate, sp_emb, gamma, beta, x)


def kernel(x, species_idx, table, gamma, beta, gate):
    B, L, D = x.shape
    V = table.shape[0]
    idx = species_idx.astype(jnp.int32)
    sp_emb = _make_sc_gather(V, D, B)(table, idx)
    return _tc_fused(
        x,
        sp_emb,
        gamma.reshape(1, D),
        beta.reshape(1, D),
        jnp.asarray(gate, jnp.float32).reshape(1),
    )

# --- scband reference (transcript-rebuilt; emitter-appended) ---
"""Pipeline reference for scband-species-embedding-29240137351800 (READ-ONLY COPY).

The authoritative reference and input builder live on the scoring server;
editing this copy changes nothing except your own understanding.
"""

import jax, jax.numpy as jnp
import numpy as np

N_SPECIES = 100000
EMBED_DIM = 128
B = 1024
L = 200


def setup_inputs(seed: int = 0) -> dict:
    key = jax.random.key(seed)
    k1, k2, k3 = jax.random.split(key, 3)
    x = jax.random.normal(k1, (B, L, EMBED_DIM), dtype=jnp.float32)
    species_idx = jax.random.randint(k2, (B,), 0, N_SPECIES, dtype=jnp.int64 if jax.config.jax_enable_x64 else jnp.int32)
    table = jax.random.normal(k3, (N_SPECIES, EMBED_DIM), dtype=jnp.float32)
    gamma = jnp.ones((EMBED_DIM,), dtype=jnp.float32)
    beta = jnp.zeros((EMBED_DIM,), dtype=jnp.float32)
    gate = jnp.asarray(0.1, dtype=jnp.float32)
    return {"x": x, "species_idx": species_idx, "table": table, "gamma": gamma, "beta": beta, "gate": gate}


def reference(x, species_idx, table, gamma, beta, gate):
    # embedding lookup
    sp_emb = jnp.take(table, species_idx, axis=0)  # (B, D)
    # LayerNorm over last dim (eps=1e-5, like nn.LayerNorm)
    mean = jnp.mean(sp_emb, axis=-1, keepdims=True)
    var = jnp.mean(jnp.square(sp_emb - mean), axis=-1, keepdims=True)
    sp_norm = (sp_emb - mean) / jnp.sqrt(var + 1e-5)
    sp_norm = sp_norm * gamma + beta
    # broadcast over sequence length and gated add
    g = jax.nn.sigmoid(gate)
    return x + g * sp_norm[:, None, :]

if __name__ == "__main__":
    import jax
    _d = setup_inputs()
    print(jax.jit(kernel)(*tuple(_d.values())))

</pallas_src>

<mosaic_0001>
#map = affine_map<(d0, d1) -> (0, 0)>
#map1 = affine_map<(d0, d1) -> (0)>
module attributes {stable_mosaic.version = 14 : i64} {
  func.func @gather(%arg0: i32, %arg1: i32, %arg2: memref<100000x128xf32, #tpu.memory_space<hbm>>, %arg3: memref<1024xi32, #tpu.memory_space<hbm>>, %arg4: memref<1024x128xf32, #tpu.memory_space<hbm>>, %arg5: memref<64xi32, #tpu.memory_space<vmem>>, %arg6: memref<32x128xf32, #tpu.memory_space<vmem>>, %arg7: memref<32x128xf32, #tpu.memory_space<vmem>>, %arg8: memref<!tpu.dma_semaphore, #tpu.memory_space<semaphore_mem>>, %arg9: memref<!tpu.dma_semaphore, #tpu.memory_space<semaphore_mem>>) attributes {dimension_semantics = [#tpu.dimension_semantics<core_parallel>, #tpu.dimension_semantics<subcore_parallel>], iteration_bounds = array<i64: 1, 16>, scalar_prefetch = 0 : i64, scratch_operands = 5 : i64, tpu.core_type = #tpu.core_type<sc_vector_subcore>, window_params = [{transform_indices = #map}, {transform_indices = #map1}, {transform_indices = #map}]} {
    %mul3A = arith.constant 1 : i32
    %mul3A_0 = arith.muli %arg1, %mul3A : i32
    %add3A = arith.addi %mul3A_0, %arg0 : i32
    %mul3A_1 = arith.constant 64 : i32
    %mul3A_2 = arith.muli %add3A, %mul3A_1 : i32
    "tpu.region"() ({
      %run_scoped3A = tpu.sem_alloc : memref<!tpu.dma_semaphore, #tpu.memory_space<semaphore_mem>>
      %dma_start3A_23 = tpu.memref_slice %arg3[%mul3A_2] : memref<1024xi32, #tpu.memory_space<hbm>> -> memref<64xi32, #tpu.memory_space<hbm>>
      %dma_start3A_24 = tpu.memref_slice %arg3[%mul3A_2] : memref<1024xi32, #tpu.memory_space<hbm>> -> memref<64xi32, #tpu.memory_space<hbm>>
      tpu.enqueue_dma source(%dma_start3A_24 : memref<64xi32, #tpu.memory_space<hbm>>) target(%arg5 : memref<64xi32, #tpu.memory_space<vmem>>) target_semaphore(%run_scoped3A : memref<!tpu.dma_semaphore, #tpu.memory_space<semaphore_mem>>)
      %dma_wait3A_25 = tpu.memref_slice %arg3[%mul3A_2] : memref<1024xi32, #tpu.memory_space<hbm>> -> memref<64xi32, #tpu.memory_space<hbm>>
      %dma_wait3A_26 = tpu.memref_slice %arg3[%mul3A_2] : memref<1024xi32, #tpu.memory_space<hbm>> -> memref<64xi32, #tpu.memory_space<hbm>>
      tpu.wait_dma2 semaphore(%run_scoped3A : memref<!tpu.dma_semaphore, #tpu.memory_space<semaphore_mem>>) src(%dma_wait3A_26 : memref<64xi32, #tpu.memory_space<hbm>>) dst(%arg5 : memref<64xi32, #tpu.memory_space<vmem>>)
      tpu.yield
    }) : () -> ()
    %dma_start3A = arith.constant 0 : i32
    %dma_start3A_3 = tpu.memref_slice %arg5[%dma_start3A] : memref<64xi32, #tpu.memory_space<vmem>> -> memref<32xi32, #tpu.memory_space<vmem>>
    %dma_start3A_4 = arith.constant 0 : i32
    %dma_start3A_5 = arith.constant 0 : i32
    %dma_start3A_6 = tpu.memref_slice %arg2[%dma_start3A_4, %dma_start3A_5] : memref<100000x128xf32, #tpu.memory_space<hbm>> -> memref<100000x128xf32, #tpu.memory_space<hbm>>
    tpu.enqueue_indirect_dma source(%dma_start3A_6 : memref<100000x128xf32, #tpu.memory_space<hbm>>) target(%arg6 : memref<32x128xf32, #tpu.memory_space<vmem>>) offsets(%dma_start3A_3 : memref<32xi32, #tpu.memory_space<vmem>>) semaphore(%arg8 : memref<!tpu.dma_semaphore, #tpu.memory_space<semaphore_mem>>)
    %dma_start3A_7 = arith.constant 32 : i32
    %dma_start3A_8 = tpu.memref_slice %arg5[%dma_start3A_7] : memref<64xi32, #tpu.memory_space<vmem>> -> memref<32xi32, #tpu.memory_space<vmem>>
    %dma_start3A_9 = arith.constant 0 : i32
    %dma_start3A_10 = arith.constant 0 : i32
    %dma_start3A_11 = tpu.memref_slice %arg2[%dma_start3A_9, %dma_start3A_10] : memref<100000x128xf32, #tpu.memory_space<hbm>> -> memref<100000x128xf32, #tpu.memory_space<hbm>>
    tpu.enqueue_indirect_dma source(%dma_start3A_11 : memref<100000x128xf32, #tpu.memory_space<hbm>>) target(%arg7 : memref<32x128xf32, #tpu.memory_space<vmem>>) offsets(%dma_start3A_8 : memref<32xi32, #tpu.memory_space<vmem>>) semaphore(%arg9 : memref<!tpu.dma_semaphore, #tpu.memory_space<semaphore_mem>>)
    %dma_wait3A = arith.constant 0 : i32
    %dma_wait3A_12 = tpu.memref_slice %arg5[%dma_wait3A] : memref<64xi32, #tpu.memory_space<vmem>> -> memref<32xi32, #tpu.memory_space<vmem>>
    %dma_wait3A_13 = arith.constant 0 : i32
    %dma_wait3A_14 = arith.constant 0 : i32
    %dma_wait3A_15 = tpu.memref_slice %arg2[%dma_wait3A_13, %dma_wait3A_14] : memref<100000x128xf32, #tpu.memory_space<hbm>> -> memref<100000x128xf32, #tpu.memory_space<hbm>>
    tpu.wait_indirect_dma semaphore(%arg8 : memref<!tpu.dma_semaphore, #tpu.memory_space<semaphore_mem>>) src(%dma_wait3A_15 : memref<100000x128xf32, #tpu.memory_space<hbm>>) dst(%arg6 : memref<32x128xf32, #tpu.memory_space<vmem>>)
    "tpu.region"() ({
      %run_scoped3A = tpu.sem_alloc : memref<!tpu.dma_semaphore, #tpu.memory_space<semaphore_mem>>
      %dma_start3A_23 = arith.constant 0 : i32
      %dma_start3A_24 = tpu.memref_slice %arg4[%mul3A_2, %dma_start3A_23] : memref<1024x128xf32, #tpu.memory_space<hbm>> -> memref<32x128xf32, #tpu.memory_space<hbm>>
      %dma_start3A_25 = arith.constant 0 : i32
      %dma_start3A_26 = tpu.memref_slice %arg4[%mul3A_2, %dma_start3A_25] : memref<1024x128xf32, #tpu.memory_space<hbm>> -> memref<32x128xf32, #tpu.memory_space<hbm>>
      tpu.enqueue_dma source(%arg6 : memref<32x128xf32, #tpu.memory_space<vmem>>) target(%dma_start3A_26 : memref<32x128xf32, #tpu.memory_space<hbm>>) target_semaphore(%run_scoped3A : memref<!tpu.dma_semaphore, #tpu.memory_space<semaphore_mem>>)
      %dma_wait3A_27 = arith.constant 0 : i32
      %dma_wait3A_28 = tpu.memref_slice %arg4[%mul3A_2, %dma_wait3A_27] : memref<1024x128xf32, #tpu.memory_space<hbm>> -> memref<32x128xf32, #tpu.memory_space<hbm>>
      %dma_wait3A_29 = arith.constant 0 : i32
      %dma_wait3A_30 = tpu.memref_slice %arg4[%mul3A_2, %dma_wait3A_29] : memref<1024x128xf32, #tpu.memory_space<hbm>> -> memref<32x128xf32, #tpu.memory_space<hbm>>
      tpu.wait_dma2 semaphore(%run_scoped3A : memref<!tpu.dma_semaphore, #tpu.memory_space<semaphore_mem>>) src(%arg6 : memref<32x128xf32, #tpu.memory_space<vmem>>) dst(%dma_wait3A_30 : memref<32x128xf32, #tpu.memory_space<hbm>>)
      tpu.yield
    }) : () -> ()
    %dma_wait3A_16 = arith.constant 32 : i32
    %dma_wait3A_17 = tpu.memref_slice %arg5[%dma_wait3A_16] : memref<64xi32, #tpu.memory_space<vmem>> -> memref<32xi32, #tpu.memory_space<vmem>>
    %dma_wait3A_18 = arith.constant 0 : i32
    %dma_wait3A_19 = arith.constant 0 : i32
    %dma_wait3A_20 = tpu.memref_slice %arg2[%dma_wait3A_18, %dma_wait3A_19] : memref<100000x128xf32, #tpu.memory_space<hbm>> -> memref<100000x128xf32, #tpu.memory_space<hbm>>
    tpu.wait_indirect_dma semaphore(%arg9 : memref<!tpu.dma_semaphore, #tpu.memory_space<semaphore_mem>>) src(%dma_wait3A_20 : memref<100000x128xf32, #tpu.memory_space<hbm>>) dst(%arg7 : memref<32x128xf32, #tpu.memory_space<vmem>>)
    %add3A_21 = arith.constant 32 : i32
    %add3A_22 = arith.addi %mul3A_2, %add3A_21 : i32
    "tpu.region"() ({
      %run_scoped3A = tpu.sem_alloc : memref<!tpu.dma_semaphore, #tpu.memory_space<semaphore_mem>>
      %dma_start3A_23 = arith.constant 0 : i32
      %dma_start3A_24 = tpu.memref_slice %arg4[%add3A_22, %dma_start3A_23] : memref<1024x128xf32, #tpu.memory_space<hbm>> -> memref<32x128xf32, #tpu.memory_space<hbm>>
      %dma_start3A_25 = arith.constant 0 : i32
      %dma_start3A_26 = tpu.memref_slice %arg4[%add3A_22, %dma_start3A_25] : memref<1024x128xf32, #tpu.memory_space<hbm>> -> memref<32x128xf32, #tpu.memory_space<hbm>>
      tpu.enqueue_dma source(%arg7 : memref<32x128xf32, #tpu.memory_space<vmem>>) target(%dma_start3A_26 : memref<32x128xf32, #tpu.memory_space<hbm>>) target_semaphore(%run_scoped3A : memref<!tpu.dma_semaphore, #tpu.memory_space<semaphore_mem>>)
      %dma_wait3A_27 = arith.constant 0 : i32
      %dma_wait3A_28 = tpu.memref_slice %arg4[%add3A_22, %dma_wait3A_27] : memref<1024x128xf32, #tpu.memory_space<hbm>> -> memref<32x128xf32, #tpu.memory_space<hbm>>
      %dma_wait3A_29 = arith.constant 0 : i32
      %dma_wait3A_30 = tpu.memref_slice %arg4[%add3A_22, %dma_wait3A_29] : memref<1024x128xf32, #tpu.memory_space<hbm>> -> memref<32x128xf32, #tpu.memory_space<hbm>>
      tpu.wait_dma2 semaphore(%run_scoped3A : memref<!tpu.dma_semaphore, #tpu.memory_space<semaphore_mem>>) src(%arg7 : memref<32x128xf32, #tpu.memory_space<vmem>>) dst(%dma_wait3A_30 : memref<32x128xf32, #tpu.memory_space<hbm>>)
      tpu.yield
    }) : () -> ()
    return
  }
}

module attributes {stable_mosaic.version = 14 : i64} {
  func.func @_tc_body(%arg0: i32, %arg1: memref<1xf32, #tpu.memory_space<smem>>, %arg2: memref<128x128xf32, #tpu.memory_space<vmem>>, %arg3: memref<1x128xf32, #tpu.memory_space<vmem>>, %arg4: memref<1x128xf32, #tpu.memory_space<vmem>>, %arg5: memref<128x200x128xf32, #tpu.memory_space<vmem>>, %arg6: memref<128x200x128xf32, #tpu.memory_space<vmem>>) attributes {dimension_semantics = [#tpu.dimension_semantics<arbitrary>], iteration_bounds = array<i64: 8>, scalar_prefetch = 0 : i64, scratch_operands = 0 : i64, tpu.core_type = #tpu.core_type<tc>, window_params = [{transform_indices = @transform_0, window_bounds = array<i64: 1>}, {transform_indices = @transform_1, window_bounds = array<i64: 128, 128>}, {pipeline_mode = #tpu.pipeline_mode<synchronous>, transform_indices = @transform_2, window_bounds = array<i64: 1, 128>}, {pipeline_mode = #tpu.pipeline_mode<synchronous>, transform_indices = @transform_3, window_bounds = array<i64: 1, 128>}, {transform_indices = @transform_4, window_bounds = array<i64: 128, 200, 128>}, {transform_indices = @transform_5, window_bounds = array<i64: 128, 200, 128>}]} {
    %get3A = arith.constant 0 : index
    %get3A_0 = arith.constant 0 : index
    %get3A_1 = vector.load %arg2[%get3A, %get3A_0] : memref<128x128xf32, #tpu.memory_space<vmem>>, vector<128x128xf32>
    %reduce_sum3A = arith.constant dense<0.000000e+00> : vector<128xf32>
    %reduce_sum3A_2 = vector.multi_reduction <add>, %get3A_1, %reduce_sum3A [1] : vector<128x128xf32> to vector<128xf32>
    %broadcast_in_dim3A = vector.shape_cast %reduce_sum3A_2 : vector<128xf32> to vector<128x1xf32>
    %div3A = arith.constant 1.280000e+02 : f32
    %div3A_3 = vector.broadcast %div3A : f32 to vector<128x1xf32>
    %div3A_4 = arith.divf %broadcast_in_dim3A, %div3A_3 : vector<128x1xf32>
    %sub3A = vector.broadcast %div3A_4 : vector<128x1xf32> to vector<128x128xf32>
    %sub3A_5 = arith.subf %get3A_1, %sub3A : vector<128x128xf32>
    %mul3A = arith.mulf %sub3A_5, %sub3A_5 : vector<128x128xf32>
    %reduce_sum3A_6 = arith.constant dense<0.000000e+00> : vector<128xf32>
    %reduce_sum3A_7 = vector.multi_reduction <add>, %mul3A, %reduce_sum3A_6 [1] : vector<128x128xf32> to vector<128xf32>
    %broadcast_in_dim3A_8 = vector.shape_cast %reduce_sum3A_7 : vector<128xf32> to vector<128x1xf32>
    %div3A_9 = arith.constant 1.280000e+02 : f32
    %div3A_10 = vector.broadcast %div3A_9 : f32 to vector<128x1xf32>
    %div3A_11 = arith.divf %broadcast_in_dim3A_8, %div3A_10 : vector<128x1xf32>
    %add3A = arith.constant 9.99999974E-6 : f32
    %add3A_12 = vector.broadcast %add3A : f32 to vector<128x1xf32>
    %add3A_13 = arith.addf %div3A_11, %add3A_12 : vector<128x1xf32>
    %rsqrt3A = math.rsqrt %add3A_13 : vector<128x1xf32>
    %mul3A_14 = vector.broadcast %rsqrt3A : vector<128x1xf32> to vector<128x128xf32>
    %mul3A_15 = arith.mulf %sub3A_5, %mul3A_14 : vector<128x128xf32>
    %get3A_16 = arith.constant 0 : index
    %get3A_17 = arith.constant 0 : index
    %get3A_18 = vector.load %arg3[%get3A_16, %get3A_17] : memref<1x128xf32, #tpu.memory_space<vmem>>, vector<1x128xf32>
    %mul3A_19 = vector.broadcast %get3A_18 : vector<1x128xf32> to vector<128x128xf32>
    %mul3A_20 = arith.mulf %mul3A_15, %mul3A_19 : vector<128x128xf32>
    %get3A_21 = arith.constant 0 : index
    %get3A_22 = arith.constant 0 : index
    %get3A_23 = vector.load %arg4[%get3A_21, %get3A_22] : memref<1x128xf32, #tpu.memory_space<vmem>>, vector<1x128xf32>
    %add3A_24 = vector.broadcast %get3A_23 : vector<1x128xf32> to vector<128x128xf32>
    %add3A_25 = arith.addf %mul3A_20, %add3A_24 : vector<128x128xf32>
    %get3A_26 = arith.constant 0 : index
    %get3A_27 = memref.load %arg1[%get3A_26] : memref<1xf32, #tpu.memory_space<smem>>
    %logistic3A = arith.negf %get3A_27 : f32
    %logistic3A_28 = math.exp %logistic3A : f32
    %logistic3A_29 = arith.constant 1.000000e+00 : f32
    %logistic3A_30 = arith.addf %logistic3A_29, %logistic3A_28 : f32
    %logistic3A_31 = arith.divf %logistic3A_29, %logistic3A_30 : f32
    %get3A_32 = arith.constant 0 : index
    %get3A_33 = arith.constant 0 : index
    %get3A_34 = arith.constant 0 : index
    %get3A_35 = vector.load %arg5[%get3A_32, %get3A_33, %get3A_34] : memref<128x200x128xf32, #tpu.memory_space<vmem>>, vector<128x200x128xf32>
    %broadcast_in_dim3A_36 = vector.shape_cast %add3A_25 : vector<128x128xf32> to vector<128x1x128xf32>
    %mul3A_37 = vector.broadcast %logistic3A_31 : f32 to vector<128x1x128xf32>
    %mul3A_38 = arith.mulf %mul3A_37, %broadcast_in_dim3A_36 : vector<128x1x128xf32>
    %add3A_39 = vector.broadcast %mul3A_38 : vector<128x1x128xf32> to vector<128x200x128xf32>
    %add3A_40 = arith.addf %get3A_35, %add3A_39 : vector<128x200x128xf32>
    %swap3A = arith.constant 0 : index
    %swap3A_41 = arith.constant 0 : index
    %swap3A_42 = arith.constant 0 : index
    %swap3A_43 = vector.load %arg6[%swap3A, %swap3A_41, %swap3A_42] : memref<128x200x128xf32, #tpu.memory_space<vmem>>, vector<128x200x128xf32>
    tpu.vector_store %arg6[%swap3A, %swap3A_41, %swap3A_42], %add3A_40 {strides = array<i32>} : memref<128x200x128xf32, #tpu.memory_space<vmem>>, vector<128x200x128xf32>,
    return
  }
  func.func @transform_0(%arg0: i32) -> i32 {
    %c0_i32 = arith.constant 0 : i32
    %c0_i32_0 = arith.constant 0 : i32
    return %c0_i32 : i32
  }
  func.func @transform_1(%arg0: i32) -> (i32, i32) {
    %c0_i32 = arith.constant 0 : i32
    %c0_i32_0 = arith.constant 0 : i32
    return %arg0, %c0_i32 : i32, i32
  }
  func.func @transform_2(%arg0: i32) -> (i32, i32) {
    %c0_i32 = arith.constant 0 : i32
    %c0_i32_0 = arith.constant 0 : i32
    %c0_i32_1 = arith.constant 0 : i32
    return %c0_i32, %c0_i32_0 : i32, i32
  }
  func.func @transform_3(%arg0: i32) -> (i32, i32) {
    %c0_i32 = arith.constant 0 : i32
    %c0_i32_0 = arith.constant 0 : i32
    %c0_i32_1 = arith.constant 0 : i32
    return %c0_i32, %c0_i32_0 : i32, i32
  }
  func.func @transform_4(%arg0: i32) -> (i32, i32, i32) {
    %c0_i32 = arith.constant 0 : i32
    %c0_i32_0 = arith.constant 0 : i32
    %c0_i32_1 = arith.constant 0 : i32
    return %arg0, %c0_i32, %c0_i32_0 : i32, i32, i32
  }
  func.func @transform_5(%arg0: i32) -> (i32, i32, i32) {
    %c0_i32 = arith.constant 0 : i32
    %c0_i32_0 = arith.constant 0 : i32
    %c0_i32_1 = arith.constant 0 : i32
    return %arg0, %c0_i32, %c0_i32_0 : i32, i32, i32
  }
}

</mosaic_0001>

<sc_bundles>
// kernel: kernel.4.cloned.1.call-start
scs
__scs_entry_jumppad:
0x0: {  	(pc) =	sbr.rel $0x88, $3  }
0x1: {  	(tag) =	ssettag $0x0;
	lr =	simm.s32 $0x1  }
0x2: {  	[smem:$0x3F9B] =	sst lr;
	_ =	strace $0xD0000000  }
0x3: {  	_ = 	snop  }
0x4: {  	_ = 	snop  }
0x5: {  	_ = 	snop  }
0x6: {  	_ = 	snop  }
0x7: {  	_ = 	snop  }
__scs_overlays_trampoline_lowered:
0x8: {  	[smem:$0x3FAA] =	sst s0  }
0x9: {  	[smem:$0x3FAB] =	sst s1  }
0xa: {  	[smem:$0x3FAC] =	sst s2  }
0xb: {  	[smem:$0x3FAD] =	sst s3  }
0xc: {  	[smem:$0x3FAE] =	sst s4  }
0xd: {  	[smem:$0x3FAF] =	sst s5  }
0xe: {  	[smem:$0x3FB0] =	sst s6  }
0xf: {  	[smem:$0x3FB1] =	sst s7  }
0x10: {  	[smem:$0x3FB2] =	sst s8  }
0x11: {  	[smem:$0x3FB3] =	sst s9;
	s0 =	simm.s32 @!p0 $0x0  }
0x12: {  	s1 =	sld [smem:$0x3F99];
	s0 =	simm.s32 @p0 $0x1  }
0x13: {  	[smem:$0x3FB4] =	sst s0;
	s0 =	simm.s32 @!p1 $0x0  }
0x14: {  	s2 =	sld [smem:$0x3F98];
	s0 =	simm.s32 @p1 $0x1  }
0x15: {  	[smem:$0x3FB5] =	sst s0;
	s0 =	simm.s32 @!p2 $0x0  }
0x16: {  	s3 =	sld [smem:$0x3FDB];
	s0 =	simm.s32 @p2 $0x1  }
0x17: {  	s4 =	simm.s32 $0x1BF5;
	[smem:$0x3FB7] =	sst s0  }
0x18: {  	s0 =	sld [smem:$0x3F9A];
	_ =	swait.ge [sflag:s4], $0x0  }
0x19: {  	s7 =	sld [smem:$0x3F9B]  }
0x1a: {  	s8 =	sadd.s32 $0xFFFFE003, lr  }
0x1b: {  	s9 =	sadd.s32 $0xFFFFFEF7, lr;
	s5 =	simm.s32 $0xFFFFFFFF;
	p2 =	slt.u32 s8, $0xFFFFF086  }
0x1c: {  	p1 =	slt.u32 s9, $0xF7A;
	s5 =	simm.s32 @!p2 $0x0  }
0x1d: {  	s5 =	simm.s32 @p1 $0x1;
	p0 =	seq.s32 s7, s2  }
0x1e: {  	s7 =	smul.u32 @!p0 $0xF7A, s2;
	p2 =	seq.s32 @!p0 s5, $0x0  }
0x1f: {  	s9 =	smul.u32 $0xF7A, s1;
	s8 =	simm.s32 @!p0 $0x1BF5;
	p2 =	por !p2, p0  }
0x20: {  	[sflag:s8] =	ssyncset.s32 @!p0 $0xFFFFF086;
	s6 =	sadd.s32 @!p0 s3, s7;
	s7 =	simm.s32 @!p0 $0x108  }
0x21: {  	s3 =	sadd.s32 s3, s9;
	s6 =	sadd.s32 @!p0 $0x88, s6;
	s7 =	simm.s32 @p2 $0x1082  }
0x22: {  	[simem:s7], [sflag:s8] =	dma.local @!p0 [hbm:s6], $0xF7A  }
0x23: {  	s9 =	sor.u32 $0xD0000000, s2;
	s6 =	simm.s32 $0x108;
	_ =	swait.ge @!p0 [sflag:s8], $0x0  }
0x24: {  	s3 =	sadd.s32 $0x88, s3;
	s6 =	simm.s32 @!p1 $0x1082;
	[sflag:s4] =	ssyncset.s32 $0xFFFFF086  }
0x25: {  	[simem:s6], [sflag:s4] =	dma.local [hbm:s3], $0xF7A  }
0x26: {  	[smem:$0x3F9B] =	sst s1;
	(tag) =	ssettag s2;
	_ =	strace s9  }
0x27: {  	s1 =	sld [smem:$0x3FAB]  }
0x28: {  	s2 =	sld [smem:$0x3FAC]  }
0x29: {  	s4 =	sld [smem:$0x3FAE]  }
0x2a: {  	p0 =	seq.s32 s5, $0x0;
	s5 =	sld [smem:$0x3FAF]  }
0x2b: {  	s6 =	sld [smem:$0x3FB0]  }
0x2c: {  	s7 =	sld [smem:$0x3FB1]  }
0x2d: {  	s3 =	simm.s32 $0x108;
	s8 =	sld [smem:$0x3FB2]  }
0x2e: {  	s3 =	simm.s32 @!p0 $0x1082;
	s9 =	sld [smem:$0x3FB3]  }
0x2f: {  	lr =	sadd.s32 s0, s3;
	s0 =	sld [smem:$0x3FAA]  }
0x30: {  	s3 =	sld [smem:$0x3FAD]  }
0x31: {  	[smem:$0x3FB6] =	sst s10  }
0x32: {  	s10 =	sld [smem:$0x3FB4];
	_ =	sdelay $0x3  }
0x33: {  	p0 =	seq.s32 s10, $0x1;
	s10 =	sld [smem:$0x3FB6];
	_ =	sdelay $0x3  }
0x34: {  	[smem:$0x3FB6] =	sst s10  }
0x35: {  	s10 =	sld [smem:$0x3FB5];
	_ =	sdelay $0x3  }
0x36: {  	p1 =	seq.s32 s10, $0x1;
	s10 =	sld [smem:$0x3FB6];
	_ =	sdelay $0x3  }
0x37: {  	[smem:$0x3FB6] =	sst s10  }
0x38: {  	s10 =	sld [smem:$0x3FB7]  }
0x39: {  	_ = 	snop;
	(pc) =	sbr.ind lr, $3  }
0x3a: {  	_ = 	snop  }
0x3b: {  	_ = 	snop  }
0x3c: {  	p2 =	seq.s32 s10, $0x1;
	s10 =	sld [smem:$0x3FB6]  }
0x3d: {  	_ =	shalt  }
0x3e: {  	_ =	shalt  }
0x3f: {  	_ =	shalt  }
0x40: {  	_ =	shalt  }
0x41: {  	_ =	shalt  }
0x42: {  	_ =	shalt  }
0x43: {  	_ =	shalt  }
0x44: {  	_ =	shalt  }
0x45: {  	_ =	shalt  }
0x46: {  	_ =	shalt  }
0x47: {  	_ =	shalt  }
0x48: {  	_ =	shalt  }
0x49: {  	_ =	shalt  }
0x4a: {  	_ =	shalt  }
0x4b: {  	_ =	shalt  }
0x4c: {  	_ =	shalt  }
0x4d: {  	_ =	shalt  }
0x4e: {  	_ =	shalt  }
0x4f: {  	_ =	shalt  }
0x50: {  	_ =	shalt  }
0x51: {  	_ =	shalt  }
0x52: {  	_ =	shalt  }
0x53: {  	_ =	shalt  }
0x54: {  	_ =	shalt  }
0x55: {  	_ =	shalt  }
0x56: {  	_ =	shalt  }
0x57: {  	_ =	shalt  }
0x58: {  	_ =	shalt  }
0x59: {  	_ =	shalt  }
0x5a: {  	_ =	shalt  }
0x5b: {  	_ =	shalt  }
0x5c: {  	_ =	shalt  }
0x5d: {  	_ =	shalt  }
0x5e: {  	_ =	shalt  }
0x5f: {  	_ =	shalt  }
0x60: {  	_ =	shalt  }
0x61: {  	_ =	shalt  }
0x62: {  	_ =	shalt  }
0x63: {  	_ =	shalt  }
0x64: {  	_ =	shalt  }
0x65: {  	_ =	shalt  }
0x66: {  	_ =	shalt  }
0x67: {  	_ =	shalt  }
0x68: {  	_ =	shalt  }
0x69: {  	_ =	shalt  }
0x6a: {  	_ =	shalt  }
0x6b: {  	_ =	shalt  }
0x6c: {  	_ =	shalt  }
0x6d: {  	_ =	shalt  }
0x6e: {  	_ =	shalt  }
0x6f: {  	_ =	shalt  }
0x70: {  	_ =	shalt  }
0x71: {  	_ =	shalt  }
0x72: {  	_ =	shalt  }
0x73: {  	_ =	shalt  }
0x74: {  	_ =	shalt  }
0x75: {  	_ =	shalt  }
0x76: {  	_ =	shalt  }
0x77: {  	_ =	shalt  }
0x78: {  	_ =	shalt  }
0x79: {  	_ =	shalt  }
0x7a: {  	_ =	shalt  }
0x7b: {  	_ =	shalt  }
0x7c: {  	_ =	shalt  }
0x7d: {  	_ =	shalt  }
0x7e: {  	_ =	shalt  }
0x7f: {  	_ =	shalt  }
0x80: {  	_ =	shalt  }
0x81: {  	_ =	shalt  }
0x82: {  	_ =	shalt  }
0x83: {  	_ =	shalt  }
0x84: {  	_ =	shalt  }
0x85: {  	_ =	shalt  }
0x86: {  	_ =	shalt  }
0x87: {  	_ =	shalt  }
.Lfunc_end0:
.L_simem_size_0:
called_computation_lowered:
.L_overlay_start_0:
0x88: {  	s0 =	sld [smem:$0x3FD9]  }
0x89: {  	s1 =	sld [smem:$0x3FFE];
	_ =	sdelay $0x3  }
0x8a: {  	s0 =	sadd.s32 s1, s0  }
0x8b: {  	[smem:$0x3FC2] =	sst s0  }
0x8c: {  	_ = 	snop  }
0x8d: {  	s0 =	sld [smem:$0x3FC8]  }
0x8e: {  	s16 =	sld [smem:$0x3FC7];
	(tm) =	ssettm $0x1  }
0x8f: {  	s2 =	sld [smem:$0x3FFB];
	_ =	sdelay $0x3  }
0x90: {  	_ =	strace s2  }
0x91: {  	s2 =	sld [smem:$0x3FFC];
	_ =	sdelay $0x3  }
0x92: {  	_ =	strace s2  }
0x93: {  	s2 =	sld [smem:$0x3FFD];
	_ =	sdelay $0x3  }
0x94: {  	_ =	strace s2  }
0x95: {  	_ =	strace $0x8FFFFFFF  }
0x96: {  	s17 =	sld [smem:$0x3FDB];
	_ =	sdelay $0x1  }
0x97: {  	s3 =	simm.s32 $_scs_section_size  }
0x98: {  	s4 =	simm.s32 $_size__tile_overlayer_lowered;
	s5 =	simm.s32 $_tile_overlayer_lowered  }
0x99: {  	s20 =	simm.s32 $0x1BFF;
	s19 =	sshll.u32 s5, $0x1;
	s2 =	sadd.s32 s3, s17  }
0x9a: {  	s6 =	simm.s32 $0x0;
	s18 =	sshll.u32 s4, $0x1;
	s4 =	sadd.s32 s19, s2  }
0x9b: {  	[timem:s6], [sflag:s20] =	dma.local [hbm:s4], s18  }
0x9c: {  	_ =	swait.ge [sflag:s20], s18  }
0x9d: {  	s3 =	ssub.s32 $0x0, s18;
	[sflag:s20] =	ssyncset.done $0x0  }
0x9e: {  	[sflag:s20] =	ssyncadd.s32 s3;
	_ =	sdelay $0x1  }
0x9f: {  	s21 =	simm.s32 $0x1B8B  }
0xa0: {  	_ =	swait.ge [sflag:s21], $0x1  }
0xa1: {  	[sflag:s21] =	ssyncset.done $0x0  }
0xa2: {  	s23 =	simm.s32 $0x1B8E;
	s22 =	sld [smem:$0x3FFE];
	[sflag:s21] =	ssyncadd.s32 $0xFFFFFFFF  }
0xa3: {  	s24 =	simm.s32 $execute0_lowered;
	[smem:$0x3FD2] =	sst s23  }
0xa4: {  	s4 =	sshll.u32 s24, $0x1;
	_ =	strace $0x80000046;
	[dreg:$0x1] =	wrdreg $0xFFFFFFFF  }
0xa5: {  	s25 =	simm.s32 $_size_execute0_lowered;
	s2 =	sadd.s32 s2, s4;
	[dreg:$0x0] =	wrdreg $0x0  }
0xa6: {  	s4 =	sshll.u32 s25, $0x1;
	[dreg:$0x2] =	wrdreg s2  }
0xa7: {  	[dreg:$0x3] =	wrdreg s4  }
0xa8: {  	[dreg:$0x4] =	wrdreg $0xC0  }
0xa9: {  	_ =	task [dreg:s6], $0x5FFFF  }
0xaa: {  	[dreg:$0x1] =	wrdreg $0xFFFFFFFF  }
0xab: {  	[dreg:$0x0] =	wrdreg $0x60  }
0xac: {  	[dreg:$0x2] =	wrdreg s16  }
0xad: {  	[dreg:$0x3] =	wrdreg s0  }
0xae: {  	[dreg:$0x4] =	wrdreg s22  }
0xaf: {  	[dreg:$0x5] =	wrdreg $0x9  }
0xb0: {  	_ =	task.clear_ibuf [dreg:s6], $0x6FFFF;
	_ =	strace $0x90000046  }
0xb1: {  	s26 =	simm.s32 $0x9;
	_ =	strace $0x80000048  }
0xb2: {  	_ =	swait.ge [sflag:s26], $0x1  }
0xb3: {  	[sflag:s26] =	ssyncadd.s32 $0xFFFFFFFF  }
0xb4: {  	_ =	strace $0x90000048  }
0xb5: {  	_ =	sfence  }
0xb6: {  	s28 =	sld [smem:$0x0];
	_ =	sdelay $0x1  }
0xb7: {  	s29 =	srdreg.scid  }
0xb8: {  	s30 =	sshll.u32 s29, $0xD;
	s31 =	sshrl.u32 s29, $0x2  }
0xb9: {  	s1 =	sand.u32 $0x1, s29;
	s2 =	sand.u32 $0x4000, s30;
	s0 =	sadd.s32 s31, s28  }
0xba: {  	s1 =	sor.u32 s2, s1;
	s0 =	sshll.u32 s0, $0x11  }
0xbb: {  	s0 =	sor.u32 s0, s1  }
0xbc: {  	s0 =	sadd.s32 $0x8F2B, s0  }
0xbd: {  	[sflag:s0] =	ssyncadd.remote.s32 $0x1  }
0xbe: {  	_ =	sfence.sel $0xFFFF  }
0xbf: {  	[dreg:$0x0] =	wrdreg $0xFFFFFFFF;
	(pc) =	sbr.abs _section_cstart, $3  }
0xc0: {  	[dreg:$0x1] =	wrdreg $0xFFFFFFFF  }
0xc1: {  	_ =	task.clear_ibuf [dreg:s6], $0x2FFFF;
	_ =	strace $0x9FFFFFFF  }
0xc2: {  	(tm) =	ssettm $0x7FFFFFFF  }
0xc3: {  	_ =	shalt  }
tec
execute0_lowered:
.L_overlay_start_1:
0x0: {  	(tag) =	ssettag $0x1  }
0x1: {  	s0 =	rddreg [dreg:$0x0]  }
0x2: {  	s1 =	rddreg [dreg:$0x1]  }
0x3: {  	s2 =	rddreg [dreg:$0x2]  }
0x4: {  	s3 =	rddreg [dreg:$0x3];
	s4 =	simm.s32 $0x0;
	s5 =	stileid.u32  }
0x5: {  	[smem:$0x7FF] =	sst s4;
	s6 =	sshll.u32 s5, $0x3  }
0x6: {  	s26 =	simm.s32 $0x3;
	_ =	strace $0x80000047;
	s1 =	sadd.s32 s1, s6  }
0x7: {  	[tilespmem:s4], [sflag:$0x3] =	stream.linear.gather [hbm4b:s1+s4], $0x40, $0x38;
	[tilespmem:$0x2080] =	vst v63  }
0x8: {  	_ =	swait.ge [sflag:s26], $0x40  }
0x9: {  	[sflag:s26] =	ssyncset.done $0x0  }
0xa: {  	s28 =	simm.s32 $0x20;
	s7 =	simm.s32 $0x80;
	[sflag:s26] =	ssyncadd.s32 $0xFFFFFFC0  }
0xb: {  	[tilespmem:s7], [sflag:$0x1] =	stream.indirect.gather [hbm4b:s0+s28], $0x80, s4, s28, $0xb8;
	[tilespmem:$0x2080] =	vst v63  }
0xc: {  	s8 =	simm.s32 $0x1080;
	s29 =	simm.s32 $0x1  }
0xd: {  	[tilespmem:s8], [sflag:$0x2] =	stream.indirect.gather [hbm4b:s0+s28], $0x80, s28, s28, $0xb8;
	[tilespmem:$0x2080] =	vst v63  }
0xe: {  	s30 =	sshll.u32 s5, $0xA;
	_ =	swait.ge [sflag:s29], $0x1000  }
0xf: {  	s2 =	sadd.s32 s30, s2;
	[sflag:s29] =	ssyncset.done $0x0  }
0x10: {  	s6 =	sadd.s32 $0x400, s2;
	[sflag:s29] =	ssyncadd.s32 $0xFFFFF000  }
0x11: {  	[hbm4b:s6+s4] =	stream.linear.scatter [tilespmem:s7], [sflag:$0x3], $0x1000, $0x38;
	[tilespmem:$0x2080] =	vst v63  }
0x12: {  	_ =	swait.ge [sflag:s26], $0x1000  }
0x13: {  	[sflag:s26] =	ssyncset.done $0x0  }
0x14: {  	s31 =	simm.s32 $0x2;
	[sflag:s26] =	ssyncadd.s32 $0xFFFFF000  }
0x15: {  	_ =	swait.ge [sflag:s31], $0x1000  }
0x16: {  	[sflag:s31] =	ssyncset.done $0x0  }
0x17: {  	s2 =	sadd.s32 $0x600, s2;
	[sflag:s31] =	ssyncadd.s32 $0xFFFFF000  }
0x18: {  	[hbm4b:s2+s4] =	stream.linear.scatter [tilespmem:s8], [sflag:$0x3], $0x1000, $0x38;
	[tilespmem:$0x2080] =	vst v63  }
0x19: {  	_ =	swait.ge [sflag:s26], $0x1000  }
0x1a: {  	[sflag:s26] =	ssyncset.done $0x0  }
0x1b: {  	[sflag:s26] =	ssyncadd.s32 $0xFFFFF000  }
0x1c: {  	_ =	sfence.sel $0x180000  }
0x1d: {  	[bflag:$0x0] =	sbarrier.arrive $0xFFFF  }
0x1e: {  	p0 =	sne.s32 s5, $0x0;
	_ =	strace $0x90000047  }
0x1f: {  	s0 =	sadd.s32 @!p0 $0x100000, s3;
	[bflag:$0x2] =	sbarrier.arrive $0xFFFF  }
0x20: {  	[sflag:s0] =	ssyncadd.tile.s32 @!p0 $0x1;
	_ =	shalt  }
.Lfunc_end2:
_tile_overlayer_lowered:
.L_overlay_start_2:
0x21: {  	(tag) =	ssettag $0x2  }
0x22: {  	s0 =	rddreg [dreg:$0x0];
	s2 =	stileid.u32  }
0x23: {  	s1 =	rddreg [dreg:$0x1];
	p0 =	sne.s32 s2, $0x0  }
0x24: {  	s3 =	rddreg [dreg:$0x2];
	[bflag:$0x3] =	sbarrier.arrive $0xFFFF;
	s2 =	simm.s32 @!p0 $0x1C03  }
0x25: {  	[timem:s3], [sflag:s2] =	dma.local @!p0 [hbm:s0], s1  }
0x26: {  	s0 =	simm.s32 @!p0 $0x3  }
0x27: {  	_ =	swait.ge @!p0 [sflag:s0], s1  }
0x28: {  	s1 =	ssub.s32 @!p0 $0x0, s1;
	[sflag:s0] =	ssyncset.done @!p0 $0x0  }
0x29: {  	[sflag:s0] =	ssyncadd.s32 @!p0 s1  }
0x2a: {  	[bflag:$0x3] =	sbarrier.arrive $0xFFFF  }
0x2b: {  	_ =	shalt  }

</sc_bundles>
